<compile_context>
chip_gen: v7x
topology: tpu7x:2x2x1
jax: 0.10.2.dev20260603
libtpu: 0.0.44.dev20260713+nightly
codegen_flags: <defaults>
</compile_context>

<pallas_src>
import functools

import jax
import jax.numpy as jnp
from jax import lax
from jax.experimental import pallas as pl
from jax.experimental.pallas import tpu as pltpu
from jax.experimental.pallas import tpu_sc as plsc

_EMB_DIM = 64
_EMB_SIZE = 1024
_N = 9216

_R = 576
_NB = _N // _R
_BB = 4

_NC = 2
_NS = 16
_NW = _NC * _NS
_BPW = _N // _NW
_CH = 96
_NCH = _BPW // _CH


def _argmin_body(xt_ref, w_ref, wsq_ref, xsq_ref, idx_ref):
    w2 = -2.0 * w_ref[...]
    for b in range(_BB):
        flat_t = xt_ref[b]
        s2t = lax.dot_general(w2, flat_t, (((1,), (0,)), ((), ())),
                              preferred_element_type=jnp.float32)
        dist = (wsq_ref[...] + s2t) + xsq_ref[b]
        m = jnp.min(dist, axis=0, keepdims=True)
        rows = lax.broadcasted_iota(jnp.int32, dist.shape, 0)
        idx = jnp.min(jnp.where(dist == m, rows, _EMB_SIZE), axis=0)
        idx_ref[0, b, :] = idx


def _argmin_indices(xt, W, wsq, xsq):
    return pl.pallas_call(
        _argmin_body,
        grid=(_NB // _BB,),
        in_specs=[
            pl.BlockSpec((_BB, _EMB_DIM, _R), lambda i: (i, 0, 0)),
            pl.BlockSpec((_EMB_SIZE, _EMB_DIM), lambda i: (0, 0)),
            pl.BlockSpec((_EMB_SIZE, 1), lambda i: (0, 0)),
            pl.BlockSpec((_BB, 1, _R), lambda i: (i, 0, 0)),
        ],
        out_specs=pl.BlockSpec((1, _BB, _R), lambda i: (i, 0, 0)),
        out_shape=jax.ShapeDtypeStruct((_NB // _BB, _BB, _R), jnp.int32),
    )(xt, W, wsq, xsq)


def _gather_body(table_hbm, idx_hbm, out_hbm, idx_v, rows_v, sem):
    wid = lax.axis_index("s") * _NC + lax.axis_index("c")
    pltpu.sync_copy(idx_hbm.at[wid], idx_v)
    copies = [
        pltpu.async_copy(table_hbm.at[idx_v.at[c]],
                         rows_v.at[pl.ds(c * _CH, _CH)], sem)
        for c in range(_NCH)
    ]
    for cp in copies:
        cp.wait()
    pltpu.sync_copy(rows_v, out_hbm.at[pl.ds(wid * _BPW, _BPW)])


def _gather_rows(Wpad, idx3):
    f = functools.partial(
        pl.kernel,
        out_type=jax.ShapeDtypeStruct((_N, 128), jnp.float32),
        mesh=plsc.VectorSubcoreMesh(core_axis_name="c", subcore_axis_name="s",
                                    num_cores=_NC, num_subcores=_NS),
        scratch_types=[
            pltpu.VMEM((_NCH, _CH), jnp.int32),
            pltpu.VMEM((_BPW, 128), jnp.float32),
            pltpu.SemaphoreType.DMA,
        ],
    )(_gather_body)
    return f(Wpad, idx3)


def kernel(x, W):
    B, T, D = x.shape
    wsq = jnp.sum(W * W, axis=1, keepdims=True)
    xsq = jnp.sum(x * x, axis=2).reshape(_NB, 1, _R)
    xt = x.transpose(0, 2, 1)
    idx = _argmin_indices(xt, W, wsq, xsq)
    Wpad = jnp.pad(W, ((0, 0), (0, 128 - _EMB_DIM)))
    embed = _gather_rows(Wpad, idx.reshape(_NW, _NCH, _CH))
    embed = embed[:, :_EMB_DIM].reshape(B, T, D)
    return (embed, embed, idx.reshape(B, T))

# --- scband reference (transcript-rebuilt; emitter-appended) ---
"""Pipeline reference for scband-quantize-1580547971835 (READ-ONLY COPY).

The authoritative reference and input builder live on the scoring server;
editing this copy changes nothing except your own understanding.
"""

import jax, jax.numpy as jnp
import numpy as np

EMB_DIM = 64
EMB_SIZE = 1024
B = 16
T = 576


def setup_inputs(seed: int = 0) -> dict:
    key = jax.random.key(seed)
    k1, k2 = jax.random.split(key)
    x = jax.random.normal(k1, (B, T, EMB_DIM), dtype=jnp.float32)
    # embedding weight initialized uniform(-1/emb_size, 1/emb_size) as in torch module
    W = jax.random.uniform(k2, (EMB_SIZE, EMB_DIM), minval=-1.0 / EMB_SIZE, maxval=1.0 / EMB_SIZE, dtype=jnp.float32)
    return {"x": x, "W": W}


def reference(x, W):
    # vq: nearest-codebook lookup via expanded squared L2 distance
    flat = x.reshape(-1, EMB_DIM)
    dist = jnp.sum(W ** 2, axis=1) - 2.0 * jnp.matmul(flat, W.T) + jnp.sum(flat ** 2, axis=1, keepdims=True)
    quantized_idx = jnp.argmin(dist, axis=1).reshape(x.shape[0], x.shape[1])
    quantized_onehot = jax.nn.one_hot(quantized_idx, EMB_SIZE, dtype=jnp.float32)
    embed_idx = jnp.matmul(quantized_onehot, W)
    # straight-through estimator
    embed_idx_qx = x + jax.lax.stop_gradient(embed_idx - x)
    return (embed_idx, embed_idx_qx, quantized_idx)

if __name__ == "__main__":
    import jax
    _d = setup_inputs()
    print(jax.jit(kernel)(*tuple(_d.values())))

</pallas_src>

<mosaic_0001>
#map = affine_map<(d0, d1) -> (0, 0)>
#map1 = affine_map<(d0, d1) -> (0, 0, 0)>
module attributes {stable_mosaic.version = 14 : i64} {
  func.func @_gather_body(%arg0: i32, %arg1: i32, %arg2: memref<1024x128xf32, #tpu.memory_space<hbm>>, %arg3: memref<32x3x96xi32, #tpu.memory_space<hbm>>, %arg4: memref<9216x128xf32, #tpu.memory_space<hbm>>, %arg5: memref<3x96xi32, #tpu.memory_space<vmem>>, %arg6: memref<288x128xf32, #tpu.memory_space<vmem>>, %arg7: memref<!tpu.dma_semaphore, #tpu.memory_space<semaphore_mem>>) attributes {dimension_semantics = [#tpu.dimension_semantics<core_parallel>, #tpu.dimension_semantics<subcore_parallel>], iteration_bounds = array<i64: 2, 16>, scalar_prefetch = 0 : i64, scratch_operands = 3 : i64, tpu.core_type = #tpu.core_type<sc_vector_subcore>, window_params = [{transform_indices = #map}, {transform_indices = #map1}, {transform_indices = #map}]} {
    %mul3A = arith.constant 2 : i32
    %mul3A_0 = arith.muli %arg1, %mul3A : i32
    %add3A = arith.addi %mul3A_0, %arg0 : i32
    "tpu.region"() ({
      %run_scoped3A = tpu.sem_alloc : memref<!tpu.dma_semaphore, #tpu.memory_space<semaphore_mem>>
      %dma_start3A_61 = arith.constant 0 : i32
      %dma_start3A_62 = arith.constant 0 : i32
      %dma_start3A_63 = tpu.memref_slice %arg3[%add3A, %dma_start3A_61, %dma_start3A_62] : memref<32x3x96xi32, #tpu.memory_space<hbm>> -> memref<1x3x96xi32, #tpu.memory_space<hbm>>
      %dma_start3A_64 = tpu.memref_squeeze %dma_start3A_63 : memref<1x3x96xi32, #tpu.memory_space<hbm>> -> memref<3x96xi32, #tpu.memory_space<hbm>>
      %dma_start3A_65 = arith.constant 0 : i32
      %dma_start3A_66 = arith.constant 0 : i32
      %dma_start3A_67 = tpu.memref_slice %arg3[%add3A, %dma_start3A_65, %dma_start3A_66] : memref<32x3x96xi32, #tpu.memory_space<hbm>> -> memref<1x3x96xi32, #tpu.memory_space<hbm>>
      %dma_start3A_68 = tpu.memref_squeeze %dma_start3A_67 : memref<1x3x96xi32, #tpu.memory_space<hbm>> -> memref<3x96xi32, #tpu.memory_space<hbm>>
      tpu.enqueue_dma source(%dma_start3A_68 : memref<3x96xi32, #tpu.memory_space<hbm>>) target(%arg5 : memref<3x96xi32, #tpu.memory_space<vmem>>) target_semaphore(%run_scoped3A : memref<!tpu.dma_semaphore, #tpu.memory_space<semaphore_mem>>)
      %dma_wait3A_69 = arith.constant 0 : i32
      %dma_wait3A_70 = arith.constant 0 : i32
      %dma_wait3A_71 = tpu.memref_slice %arg3[%add3A, %dma_wait3A_69, %dma_wait3A_70] : memref<32x3x96xi32, #tpu.memory_space<hbm>> -> memref<1x3x96xi32, #tpu.memory_space<hbm>>
      %dma_wait3A_72 = tpu.memref_squeeze %dma_wait3A_71 : memref<1x3x96xi32, #tpu.memory_space<hbm>> -> memref<3x96xi32, #tpu.memory_space<hbm>>
      %dma_wait3A_73 = arith.constant 0 : i32
      %dma_wait3A_74 = arith.constant 0 : i32
      %dma_wait3A_75 = tpu.memref_slice %arg3[%add3A, %dma_wait3A_73, %dma_wait3A_74] : memref<32x3x96xi32, #tpu.memory_space<hbm>> -> memref<1x3x96xi32, #tpu.memory_space<hbm>>
      %dma_wait3A_76 = tpu.memref_squeeze %dma_wait3A_75 : memref<1x3x96xi32, #tpu.memory_space<hbm>> -> memref<3x96xi32, #tpu.memory_space<hbm>>
      tpu.wait_dma2 semaphore(%run_scoped3A : memref<!tpu.dma_semaphore, #tpu.memory_space<semaphore_mem>>) src(%dma_wait3A_76 : memref<3x96xi32, #tpu.memory_space<hbm>>) dst(%arg5 : memref<3x96xi32, #tpu.memory_space<vmem>>)
      tpu.yield
    }) : () -> ()
    %dma_start3A = arith.constant 0 : i32
    %dma_start3A_1 = arith.constant 0 : i32
    %dma_start3A_2 = arith.constant 0 : i32
    %dma_start3A_3 = tpu.memref_slice %arg6[%dma_start3A_1, %dma_start3A_2] : memref<288x128xf32, #tpu.memory_space<vmem>> -> memref<96x128xf32, #tpu.memory_space<vmem>>
    %dma_start3A_4 = arith.constant 0 : i32
    %dma_start3A_5 = tpu.memref_slice %arg5[%dma_start3A, %dma_start3A_4] : memref<3x96xi32, #tpu.memory_space<vmem>> -> memref<1x96xi32, #tpu.memory_space<vmem>>
    %dma_start3A_6 = tpu.memref_squeeze %dma_start3A_5 : memref<1x96xi32, #tpu.memory_space<vmem>> -> memref<96xi32, #tpu.memory_space<vmem>>
    %dma_start3A_7 = arith.constant 0 : i32
    %dma_start3A_8 = arith.constant 0 : i32
    %dma_start3A_9 = tpu.memref_slice %arg2[%dma_start3A_7, %dma_start3A_8] : memref<1024x128xf32, #tpu.memory_space<hbm>> -> memref<1024x128xf32, #tpu.memory_space<hbm>>
    tpu.enqueue_indirect_dma source(%dma_start3A_9 : memref<1024x128xf32, #tpu.memory_space<hbm>>) target(%dma_start3A_3 : memref<96x128xf32, #tpu.memory_space<vmem>>) offsets(%dma_start3A_6 : memref<96xi32, #tpu.memory_space<vmem>>) semaphore(%arg7 : memref<!tpu.dma_semaphore, #tpu.memory_space<semaphore_mem>>)
    %dma_start3A_10 = arith.constant 1 : i32
    %dma_start3A_11 = arith.constant 96 : i32
    %dma_start3A_12 = arith.constant 0 : i32
    %dma_start3A_13 = tpu.memref_slice %arg6[%dma_start3A_11, %dma_start3A_12] : memref<288x128xf32, #tpu.memory_space<vmem>> -> memref<96x128xf32, #tpu.memory_space<vmem>>
    %dma_start3A_14 = arith.constant 0 : i32
    %dma_start3A_15 = tpu.memref_slice %arg5[%dma_start3A_10, %dma_start3A_14] : memref<3x96xi32, #tpu.memory_space<vmem>> -> memref<1x96xi32, #tpu.memory_space<vmem>>
    %dma_start3A_16 = tpu.memref_squeeze %dma_start3A_15 : memref<1x96xi32, #tpu.memory_space<vmem>> -> memref<96xi32, #tpu.memory_space<vmem>>
    %dma_start3A_17 = arith.constant 0 : i32
    %dma_start3A_18 = arith.constant 0 : i32
    %dma_start3A_19 = tpu.memref_slice %arg2[%dma_start3A_17, %dma_start3A_18] : memref<1024x128xf32, #tpu.memory_space<hbm>> -> memref<1024x128xf32, #tpu.memory_space<hbm>>
    tpu.enqueue_indirect_dma source(%dma_start3A_19 : memref<1024x128xf32, #tpu.memory_space<hbm>>) target(%dma_start3A_13 : memref<96x128xf32, #tpu.memory_space<vmem>>) offsets(%dma_start3A_16 : memref<96xi32, #tpu.memory_space<vmem>>) semaphore(%arg7 : memref<!tpu.dma_semaphore, #tpu.memory_space<semaphore_mem>>)
    %dma_start3A_20 = arith.constant 2 : i32
    %dma_start3A_21 = arith.constant 192 : i32
    %dma_start3A_22 = arith.constant 0 : i32
    %dma_start3A_23 = tpu.memref_slice %arg6[%dma_start3A_21, %dma_start3A_22] : memref<288x128xf32, #tpu.memory_space<vmem>> -> memref<96x128xf32, #tpu.memory_space<vmem>>
    %dma_start3A_24 = arith.constant 0 : i32
    %dma_start3A_25 = tpu.memref_slice %arg5[%dma_start3A_20, %dma_start3A_24] : memref<3x96xi32, #tpu.memory_space<vmem>> -> memref<1x96xi32, #tpu.memory_space<vmem>>
    %dma_start3A_26 = tpu.memref_squeeze %dma_start3A_25 : memref<1x96xi32, #tpu.memory_space<vmem>> -> memref<96xi32, #tpu.memory_space<vmem>>
    %dma_start3A_27 = arith.constant 0 : i32
    %dma_start3A_28 = arith.constant 0 : i32
    %dma_start3A_29 = tpu.memref_slice %arg2[%dma_start3A_27, %dma_start3A_28] : memref<1024x128xf32, #tpu.memory_space<hbm>> -> memref<1024x128xf32, #tpu.memory_space<hbm>>
    tpu.enqueue_indirect_dma source(%dma_start3A_29 : memref<1024x128xf32, #tpu.memory_space<hbm>>) target(%dma_start3A_23 : memref<96x128xf32, #tpu.memory_space<vmem>>) offsets(%dma_start3A_26 : memref<96xi32, #tpu.memory_space<vmem>>) semaphore(%arg7 : memref<!tpu.dma_semaphore, #tpu.memory_space<semaphore_mem>>)
    %dma_wait3A = arith.constant 0 : i32
    %dma_wait3A_30 = arith.constant 0 : i32
    %dma_wait3A_31 = arith.constant 0 : i32
    %dma_wait3A_32 = tpu.memref_slice %arg6[%dma_wait3A_30, %dma_wait3A_31] : memref<288x128xf32, #tpu.memory_space<vmem>> -> memref<96x128xf32, #tpu.memory_space<vmem>>
    %dma_wait3A_33 = arith.constant 0 : i32
    %dma_wait3A_34 = tpu.memref_slice %arg5[%dma_wait3A, %dma_wait3A_33] : memref<3x96xi32, #tpu.memory_space<vmem>> -> memref<1x96xi32, #tpu.memory_space<vmem>>
    %dma_wait3A_35 = tpu.memref_squeeze %dma_wait3A_34 : memref<1x96xi32, #tpu.memory_space<vmem>> -> memref<96xi32, #tpu.memory_space<vmem>>
    %dma_wait3A_36 = arith.constant 0 : i32
    %dma_wait3A_37 = arith.constant 0 : i32
    %dma_wait3A_38 = tpu.memref_slice %arg2[%dma_wait3A_36, %dma_wait3A_37] : memref<1024x128xf32, #tpu.memory_space<hbm>> -> memref<1024x128xf32, #tpu.memory_space<hbm>>
    tpu.wait_indirect_dma semaphore(%arg7 : memref<!tpu.dma_semaphore, #tpu.memory_space<semaphore_mem>>) src(%dma_wait3A_38 : memref<1024x128xf32, #tpu.memory_space<hbm>>) dst(%dma_wait3A_32 : memref<96x128xf32, #tpu.memory_space<vmem>>)
    %dma_wait3A_39 = arith.constant 1 : i32
    %dma_wait3A_40 = arith.constant 96 : i32
    %dma_wait3A_41 = arith.constant 0 : i32
    %dma_wait3A_42 = tpu.memref_slice %arg6[%dma_wait3A_40, %dma_wait3A_41] : memref<288x128xf32, #tpu.memory_space<vmem>> -> memref<96x128xf32, #tpu.memory_space<vmem>>
    %dma_wait3A_43 = arith.constant 0 : i32
    %dma_wait3A_44 = tpu.memref_slice %arg5[%dma_wait3A_39, %dma_wait3A_43] : memref<3x96xi32, #tpu.memory_space<vmem>> -> memref<1x96xi32, #tpu.memory_space<vmem>>
    %dma_wait3A_45 = tpu.memref_squeeze %dma_wait3A_44 : memref<1x96xi32, #tpu.memory_space<vmem>> -> memref<96xi32, #tpu.memory_space<vmem>>
    %dma_wait3A_46 = arith.constant 0 : i32
    %dma_wait3A_47 = arith.constant 0 : i32
    %dma_wait3A_48 = tpu.memref_slice %arg2[%dma_wait3A_46, %dma_wait3A_47] : memref<1024x128xf32, #tpu.memory_space<hbm>> -> memref<1024x128xf32, #tpu.memory_space<hbm>>
    tpu.wait_indirect_dma semaphore(%arg7 : memref<!tpu.dma_semaphore, #tpu.memory_space<semaphore_mem>>) src(%dma_wait3A_48 : memref<1024x128xf32, #tpu.memory_space<hbm>>) dst(%dma_wait3A_42 : memref<96x128xf32, #tpu.memory_space<vmem>>)
    %dma_wait3A_49 = arith.constant 2 : i32
    %dma_wait3A_50 = arith.constant 192 : i32
    %dma_wait3A_51 = arith.constant 0 : i32
    %dma_wait3A_52 = tpu.memref_slice %arg6[%dma_wait3A_50, %dma_wait3A_51] : memref<288x128xf32, #tpu.memory_space<vmem>> -> memref<96x128xf32, #tpu.memory_space<vmem>>
    %dma_wait3A_53 = arith.constant 0 : i32
    %dma_wait3A_54 = tpu.memref_slice %arg5[%dma_wait3A_49, %dma_wait3A_53] : memref<3x96xi32, #tpu.memory_space<vmem>> -> memref<1x96xi32, #tpu.memory_space<vmem>>
    %dma_wait3A_55 = tpu.memref_squeeze %dma_wait3A_54 : memref<1x96xi32, #tpu.memory_space<vmem>> -> memref<96xi32, #tpu.memory_space<vmem>>
    %dma_wait3A_56 = arith.constant 0 : i32
    %dma_wait3A_57 = arith.constant 0 : i32
    %dma_wait3A_58 = tpu.memref_slice %arg2[%dma_wait3A_56, %dma_wait3A_57] : memref<1024x128xf32, #tpu.memory_space<hbm>> -> memref<1024x128xf32, #tpu.memory_space<hbm>>
    tpu.wait_indirect_dma semaphore(%arg7 : memref<!tpu.dma_semaphore, #tpu.memory_space<semaphore_mem>>) src(%dma_wait3A_58 : memref<1024x128xf32, #tpu.memory_space<hbm>>) dst(%dma_wait3A_52 : memref<96x128xf32, #tpu.memory_space<vmem>>)
    %mul3A_59 = arith.constant 288 : i32
    %mul3A_60 = arith.muli %add3A, %mul3A_59 : i32
    "tpu.region"() ({
      %run_scoped3A = tpu.sem_alloc : memref<!tpu.dma_semaphore, #tpu.memory_space<semaphore_mem>>
      %dma_start3A_61 = arith.constant 0 : i32
      %dma_start3A_62 = tpu.memref_slice %arg4[%mul3A_60, %dma_start3A_61] : memref<9216x128xf32, #tpu.memory_space<hbm>> -> memref<288x128xf32, #tpu.memory_space<hbm>>
      %dma_start3A_63 = arith.constant 0 : i32
      %dma_start3A_64 = tpu.memref_slice %arg4[%mul3A_60, %dma_start3A_63] : memref<9216x128xf32, #tpu.memory_space<hbm>> -> memref<288x128xf32, #tpu.memory_space<hbm>>
      tpu.enqueue_dma source(%arg6 : memref<288x128xf32, #tpu.memory_space<vmem>>) target(%dma_start3A_64 : memref<288x128xf32, #tpu.memory_space<hbm>>) target_semaphore(%run_scoped3A : memref<!tpu.dma_semaphore, #tpu.memory_space<semaphore_mem>>)
      %dma_wait3A_65 = arith.constant 0 : i32
      %dma_wait3A_66 = tpu.memref_slice %arg4[%mul3A_60, %dma_wait3A_65] : memref<9216x128xf32, #tpu.memory_space<hbm>> -> memref<288x128xf32, #tpu.memory_space<hbm>>
      %dma_wait3A_67 = arith.constant 0 : i32
      %dma_wait3A_68 = tpu.memref_slice %arg4[%mul3A_60, %dma_wait3A_67] : memref<9216x128xf32, #tpu.memory_space<hbm>> -> memref<288x128xf32, #tpu.memory_space<hbm>>
      tpu.wait_dma2 semaphore(%run_scoped3A : memref<!tpu.dma_semaphore, #tpu.memory_space<semaphore_mem>>) src(%arg6 : memref<288x128xf32, #tpu.memory_space<vmem>>) dst(%dma_wait3A_68 : memref<288x128xf32, #tpu.memory_space<hbm>>)
      tpu.yield
    }) : () -> ()
    return
  }
}

module attributes {stable_mosaic.version = 14 : i64} {
  func.func @_argmin_body(%arg0: i32, %arg1: memref<4x64x576xf32, #tpu.memory_space<vmem>>, %arg2: memref<1024x64xf32, #tpu.memory_space<vmem>>, %arg3: memref<1024x1xf32, #tpu.memory_space<vmem>>, %arg4: memref<4x1x576xf32, #tpu.memory_space<vmem>>, %arg5: memref<1x4x576xi32, #tpu.memory_space<vmem>>) attributes {dimension_semantics = [#tpu.dimension_semantics<arbitrary>], iteration_bounds = array<i64: 4>, scalar_prefetch = 0 : i64, scratch_operands = 0 : i64, tpu.core_type = #tpu.core_type<tc>, window_params = [{transform_indices = @transform_0, window_bounds = array<i64: 4, 64, 576>}, {pipeline_mode = #tpu.pipeline_mode<synchronous>, transform_indices = @transform_1, window_bounds = array<i64: 1024, 64>}, {pipeline_mode = #tpu.pipeline_mode<synchronous>, transform_indices = @transform_2, window_bounds = array<i64: 1024, 1>}, {transform_indices = @transform_3, window_bounds = array<i64: 4, 1, 576>}, {transform_indices = @transform_4, window_bounds = array<i64: 1, 4, 576>}]} {
    %get3A = arith.constant 0 : index
    %get3A_0 = arith.constant 0 : index
    %get3A_1 = vector.load %arg2[%get3A, %get3A_0] : memref<1024x64xf32, #tpu.memory_space<vmem>>, vector<1024x64xf32>
    %mul3A = arith.constant -2.000000e+00 : f32
    %mul3A_2 = vector.broadcast %mul3A : f32 to vector<1024x64xf32>
    %mul3A_3 = arith.mulf %mul3A_2, %get3A_1 : vector<1024x64xf32>
    %get3A_4 = arith.constant 0 : index
    %get3A_5 = arith.constant 0 : index
    %get3A_6 = arith.constant 0 : index
    %get3A_7 = vector.load %arg1[%get3A_4, %get3A_5, %get3A_6] : memref<4x64x576xf32, #tpu.memory_space<vmem>>, vector<1x64x576xf32>
    %get3A_8 = vector.shape_cast %get3A_7 : vector<1x64x576xf32> to vector<64x576xf32>
    %dot_general3A = arith.constant dense<0.000000e+00> : vector<1024x576xf32>
    %dot_general3A_9 = tpu.matmul %mul3A_3, %get3A_8, %dot_general3A {dimension_numbers = #tpu.dot_dimension_numbers<[1], [0], [0], [1], [0, 0, 1, 1], [], []>, transpose_lhs_hint = false} : vector<1024x64xf32>, vector<64x576xf32>, vector<1024x576xf32> -> vector<1024x576xf32>
    %get3A_10 = arith.constant 0 : index
    %get3A_11 = arith.constant 0 : index
    %get3A_12 = vector.load %arg3[%get3A_10, %get3A_11] : memref<1024x1xf32, #tpu.memory_space<vmem>>, vector<1024x1xf32>
    %add3A = vector.broadcast %get3A_12 : vector<1024x1xf32> to vector<1024x576xf32>
    %add3A_13 = arith.addf %add3A, %dot_general3A_9 : vector<1024x576xf32>
    %get3A_14 = arith.constant 0 : index
    %get3A_15 = arith.constant 0 : index
    %get3A_16 = arith.constant 0 : index
    %get3A_17 = vector.load %arg4[%get3A_14, %get3A_15, %get3A_16] : memref<4x1x576xf32, #tpu.memory_space<vmem>>, vector<1x1x576xf32>
    %get3A_18 = vector.shape_cast %get3A_17 : vector<1x1x576xf32> to vector<1x576xf32>
    %add3A_19 = vector.broadcast %get3A_18 : vector<1x576xf32> to vector<1024x576xf32>
    %add3A_20 = arith.addf %add3A_13, %add3A_19 : vector<1024x576xf32>
    %reduce_min3A = arith.constant dense<0x7F800000> : vector<576xf32>
    %reduce_min3A_21 = vector.multi_reduction <minimumf>, %add3A_20, %reduce_min3A [0] : vector<1024x576xf32> to vector<576xf32>
    %broadcast_in_dim3A = vector.shape_cast %reduce_min3A_21 : vector<576xf32> to vector<1x576xf32>
    %iota3A = tpu.iota {dimensions = array<i32: 0>} : vector<1024x576xi32>
    %eq3A = vector.broadcast %broadcast_in_dim3A : vector<1x576xf32> to vector<1024x576xf32>
    %eq3A_22 = arith.cmpf oeq, %add3A_20, %eq3A : vector<1024x576xf32>
    %jit3A = arith.constant 1024 : i32
    %broadcast_in_dim3A_23 = vector.broadcast %jit3A : i32 to vector<1024x576xi32>
    %select_n3A = arith.select %eq3A_22, %iota3A, %broadcast_in_dim3A_23 : vector<1024x576xi1>, vector<1024x576xi32>
    %reduce_min3A_24 = arith.constant dense<2147483647> : vector<576xi32>
    %reduce_min3A_25 = vector.multi_reduction <minsi>, %select_n3A, %reduce_min3A_24 [0] : vector<1024x576xi32> to vector<576xi32>
    %swap3A = arith.constant 0 : index
    %swap3A_26 = arith.constant 0 : index
    %swap3A_27 = arith.constant 0 : index
    %swap3A_28 = vector.load %arg5[%swap3A, %swap3A_26, %swap3A_27] : memref<1x4x576xi32, #tpu.memory_space<vmem>>, vector<1x1x576xi32>
    %swap3A_29 = vector.shape_cast %swap3A_28 : vector<1x1x576xi32> to vector<576xi32>
    %swap3A_30 = vector.shape_cast %reduce_min3A_25 : vector<576xi32> to vector<1x1x576xi32>
    tpu.vector_store %arg5[%swap3A, %swap3A_26, %swap3A_27], %swap3A_30 {strides = array<i32>} : memref<1x4x576xi32, #tpu.memory_space<vmem>>, vector<1x1x576xi32>,
    %get3A_31 = arith.constant 1 : index
    %get3A_32 = arith.constant 0 : index
    %get3A_33 = arith.constant 0 : index
    %get3A_34 = vector.load %arg1[%get3A_31, %get3A_32, %get3A_33] : memref<4x64x576xf32, #tpu.memory_space<vmem>>, vector<1x64x576xf32>
    %get3A_35 = vector.shape_cast %get3A_34 : vector<1x64x576xf32> to vector<64x576xf32>
    %dot_general3A_36 = arith.constant dense<0.000000e+00> : vector<1024x576xf32>
    %dot_general3A_37 = tpu.matmul %mul3A_3, %get3A_35, %dot_general3A_36 {dimension_numbers = #tpu.dot_dimension_numbers<[1], [0], [0], [1], [0, 0, 1, 1], [], []>, transpose_lhs_hint = false} : vector<1024x64xf32>, vector<64x576xf32>, vector<1024x576xf32> -> vector<1024x576xf32>
    %get3A_38 = arith.constant 0 : index
    %get3A_39 = arith.constant 0 : index
    %get3A_40 = vector.load %arg3[%get3A_38, %get3A_39] : memref<1024x1xf32, #tpu.memory_space<vmem>>, vector<1024x1xf32>
    %add3A_41 = vector.broadcast %get3A_40 : vector<1024x1xf32> to vector<1024x576xf32>
    %add3A_42 = arith.addf %add3A_41, %dot_general3A_37 : vector<1024x576xf32>
    %get3A_43 = arith.constant 1 : index
    %get3A_44 = arith.constant 0 : index
    %get3A_45 = arith.constant 0 : index
    %get3A_46 = vector.load %arg4[%get3A_43, %get3A_44, %get3A_45] : memref<4x1x576xf32, #tpu.memory_space<vmem>>, vector<1x1x576xf32>
    %get3A_47 = vector.shape_cast %get3A_46 : vector<1x1x576xf32> to vector<1x576xf32>
    %add3A_48 = vector.broadcast %get3A_47 : vector<1x576xf32> to vector<1024x576xf32>
    %add3A_49 = arith.addf %add3A_42, %add3A_48 : vector<1024x576xf32>
    %reduce_min3A_50 = arith.constant dense<0x7F800000> : vector<576xf32>
    %reduce_min3A_51 = vector.multi_reduction <minimumf>, %add3A_49, %reduce_min3A_50 [0] : vector<1024x576xf32> to vector<576xf32>
    %broadcast_in_dim3A_52 = vector.shape_cast %reduce_min3A_51 : vector<576xf32> to vector<1x576xf32>
    %iota3A_53 = tpu.iota {dimensions = array<i32: 0>} : vector<1024x576xi32>
    %eq3A_54 = vector.broadcast %broadcast_in_dim3A_52 : vector<1x576xf32> to vector<1024x576xf32>
    %eq3A_55 = arith.cmpf oeq, %add3A_49, %eq3A_54 : vector<1024x576xf32>
    %jit3A_56 = arith.constant 1024 : i32
    %broadcast_in_dim3A_57 = vector.broadcast %jit3A_56 : i32 to vector<1024x576xi32>
    %select_n3A_58 = arith.select %eq3A_55, %iota3A_53, %broadcast_in_dim3A_57 : vector<1024x576xi1>, vector<1024x576xi32>
    %reduce_min3A_59 = arith.constant dense<2147483647> : vector<576xi32>
    %reduce_min3A_60 = vector.multi_reduction <minsi>, %select_n3A_58, %reduce_min3A_59 [0] : vector<1024x576xi32> to vector<576xi32>
    %swap3A_61 = arith.constant 0 : index
    %swap3A_62 = arith.constant 1 : index
    %swap3A_63 = arith.constant 0 : index
    %swap3A_64 = vector.load %arg5[%swap3A_61, %swap3A_62, %swap3A_63] : memref<1x4x576xi32, #tpu.memory_space<vmem>>, vector<1x1x576xi32>
    %swap3A_65 = vector.shape_cast %swap3A_64 : vector<1x1x576xi32> to vector<576xi32>
    %swap3A_66 = vector.shape_cast %reduce_min3A_60 : vector<576xi32> to vector<1x1x576xi32>
    tpu.vector_store %arg5[%swap3A_61, %swap3A_62, %swap3A_63], %swap3A_66 {strides = array<i32>} : memref<1x4x576xi32, #tpu.memory_space<vmem>>, vector<1x1x576xi32>,
    %get3A_67 = arith.constant 2 : index
    %get3A_68 = arith.constant 0 : index
    %get3A_69 = arith.constant 0 : index
    %get3A_70 = vector.load %arg1[%get3A_67, %get3A_68, %get3A_69] : memref<4x64x576xf32, #tpu.memory_space<vmem>>, vector<1x64x576xf32>
    %get3A_71 = vector.shape_cast %get3A_70 : vector<1x64x576xf32> to vector<64x576xf32>
    %dot_general3A_72 = arith.constant dense<0.000000e+00> : vector<1024x576xf32>
    %dot_general3A_73 = tpu.matmul %mul3A_3, %get3A_71, %dot_general3A_72 {dimension_numbers = #tpu.dot_dimension_numbers<[1], [0], [0], [1], [0, 0, 1, 1], [], []>, transpose_lhs_hint = false} : vector<1024x64xf32>, vector<64x576xf32>, vector<1024x576xf32> -> vector<1024x576xf32>
    %get3A_74 = arith.constant 0 : index
    %get3A_75 = arith.constant 0 : index
    %get3A_76 = vector.load %arg3[%get3A_74, %get3A_75] : memref<1024x1xf32, #tpu.memory_space<vmem>>, vector<1024x1xf32>
    %add3A_77 = vector.broadcast %get3A_76 : vector<1024x1xf32> to vector<1024x576xf32>
    %add3A_78 = arith.addf %add3A_77, %dot_general3A_73 : vector<1024x576xf32>
    %get3A_79 = arith.constant 2 : index
    %get3A_80 = arith.constant 0 : index
    %get3A_81 = arith.constant 0 : index
    %get3A_82 = vector.load %arg4[%get3A_79, %get3A_80, %get3A_81] : memref<4x1x576xf32, #tpu.memory_space<vmem>>, vector<1x1x576xf32>
    %get3A_83 = vector.shape_cast %get3A_82 : vector<1x1x576xf32> to vector<1x576xf32>
    %add3A_84 = vector.broadcast %get3A_83 : vector<1x576xf32> to vector<1024x576xf32>
    %add3A_85 = arith.addf %add3A_78, %add3A_84 : vector<1024x576xf32>
    %reduce_min3A_86 = arith.constant dense<0x7F800000> : vector<576xf32>
    %reduce_min3A_87 = vector.multi_reduction <minimumf>, %add3A_85, %reduce_min3A_86 [0] : vector<1024x576xf32> to vector<576xf32>
    %broadcast_in_dim3A_88 = vector.shape_cast %reduce_min3A_87 : vector<576xf32> to vector<1x576xf32>
    %iota3A_89 = tpu.iota {dimensions = array<i32: 0>} : vector<1024x576xi32>
    %eq3A_90 = vector.broadcast %broadcast_in_dim3A_88 : vector<1x576xf32> to vector<1024x576xf32>
    %eq3A_91 = arith.cmpf oeq, %add3A_85, %eq3A_90 : vector<1024x576xf32>
    %jit3A_92 = arith.constant 1024 : i32
    %broadcast_in_dim3A_93 = vector.broadcast %jit3A_92 : i32 to vector<1024x576xi32>
    %select_n3A_94 = arith.select %eq3A_91, %iota3A_89, %broadcast_in_dim3A_93 : vector<1024x576xi1>, vector<1024x576xi32>
    %reduce_min3A_95 = arith.constant dense<2147483647> : vector<576xi32>
    %reduce_min3A_96 = vector.multi_reduction <minsi>, %select_n3A_94, %reduce_min3A_95 [0] : vector<1024x576xi32> to vector<576xi32>
    %swap3A_97 = arith.constant 0 : index
    %swap3A_98 = arith.constant 2 : index
    %swap3A_99 = arith.constant 0 : index
    %swap3A_100 = vector.load %arg5[%swap3A_97, %swap3A_98, %swap3A_99] : memref<1x4x576xi32, #tpu.memory_space<vmem>>, vector<1x1x576xi32>
    %swap3A_101 = vector.shape_cast %swap3A_100 : vector<1x1x576xi32> to vector<576xi32>
    %swap3A_102 = vector.shape_cast %reduce_min3A_96 : vector<576xi32> to vector<1x1x576xi32>
    tpu.vector_store %arg5[%swap3A_97, %swap3A_98, %swap3A_99], %swap3A_102 {strides = array<i32>} : memref<1x4x576xi32, #tpu.memory_space<vmem>>, vector<1x1x576xi32>,
    %get3A_103 = arith.constant 3 : index
    %get3A_104 = arith.constant 0 : index
    %get3A_105 = arith.constant 0 : index
    %get3A_106 = vector.load %arg1[%get3A_103, %get3A_104, %get3A_105] : memref<4x64x576xf32, #tpu.memory_space<vmem>>, vector<1x64x576xf32>
    %get3A_107 = vector.shape_cast %get3A_106 : vector<1x64x576xf32> to vector<64x576xf32>
    %dot_general3A_108 = arith.constant dense<0.000000e+00> : vector<1024x576xf32>
    %dot_general3A_109 = tpu.matmul %mul3A_3, %get3A_107, %dot_general3A_108 {dimension_numbers = #tpu.dot_dimension_numbers<[1], [0], [0], [1], [0, 0, 1, 1], [], []>, transpose_lhs_hint = false} : vector<1024x64xf32>, vector<64x576xf32>, vector<1024x576xf32> -> vector<1024x576xf32>
    %get3A_110 = arith.constant 0 : index
    %get3A_111 = arith.constant 0 : index
    %get3A_112 = vector.load %arg3[%get3A_110, %get3A_111] : memref<1024x1xf32, #tpu.memory_space<vmem>>, vector<1024x1xf32>
    %add3A_113 = vector.broadcast %get3A_112 : vector<1024x1xf32> to vector<1024x576xf32>
    %add3A_114 = arith.addf %add3A_113, %dot_general3A_109 : vector<1024x576xf32>
    %get3A_115 = arith.constant 3 : index
    %get3A_116 = arith.constant 0 : index
    %get3A_117 = arith.constant 0 : index
    %get3A_118 = vector.load %arg4[%get3A_115, %get3A_116, %get3A_117] : memref<4x1x576xf32, #tpu.memory_space<vmem>>, vector<1x1x576xf32>
    %get3A_119 = vector.shape_cast %get3A_118 : vector<1x1x576xf32> to vector<1x576xf32>
    %add3A_120 = vector.broadcast %get3A_119 : vector<1x576xf32> to vector<1024x576xf32>
    %add3A_121 = arith.addf %add3A_114, %add3A_120 : vector<1024x576xf32>
    %reduce_min3A_122 = arith.constant dense<0x7F800000> : vector<576xf32>
    %reduce_min3A_123 = vector.multi_reduction <minimumf>, %add3A_121, %reduce_min3A_122 [0] : vector<1024x576xf32> to vector<576xf32>
    %broadcast_in_dim3A_124 = vector.shape_cast %reduce_min3A_123 : vector<576xf32> to vector<1x576xf32>
    %iota3A_125 = tpu.iota {dimensions = array<i32: 0>} : vector<1024x576xi32>
    %eq3A_126 = vector.broadcast %broadcast_in_dim3A_124 : vector<1x576xf32> to vector<1024x576xf32>
    %eq3A_127 = arith.cmpf oeq, %add3A_121, %eq3A_126 : vector<1024x576xf32>
    %jit3A_128 = arith.constant 1024 : i32
    %broadcast_in_dim3A_129 = vector.broadcast %jit3A_128 : i32 to vector<1024x576xi32>
    %select_n3A_130 = arith.select %eq3A_127, %iota3A_125, %broadcast_in_dim3A_129 : vector<1024x576xi1>, vector<1024x576xi32>
    %reduce_min3A_131 = arith.constant dense<2147483647> : vector<576xi32>
    %reduce_min3A_132 = vector.multi_reduction <minsi>, %select_n3A_130, %reduce_min3A_131 [0] : vector<1024x576xi32> to vector<576xi32>
    %swap3A_133 = arith.constant 0 : index
    %swap3A_134 = arith.constant 3 : index
    %swap3A_135 = arith.constant 0 : index
    %swap3A_136 = vector.load %arg5[%swap3A_133, %swap3A_134, %swap3A_135] : memref<1x4x576xi32, #tpu.memory_space<vmem>>, vector<1x1x576xi32>
    %swap3A_137 = vector.shape_cast %swap3A_136 : vector<1x1x576xi32> to vector<576xi32>
    %swap3A_138 = vector.shape_cast %reduce_min3A_132 : vector<576xi32> to vector<1x1x576xi32>
    tpu.vector_store %arg5[%swap3A_133, %swap3A_134, %swap3A_135], %swap3A_138 {strides = array<i32>} : memref<1x4x576xi32, #tpu.memory_space<vmem>>, vector<1x1x576xi32>,
    return
  }
  func.func @transform_0(%arg0: i32) -> (i32, i32, i32) {
    %c0_i32 = arith.constant 0 : i32
    %c0_i32_0 = arith.constant 0 : i32
    %c0_i32_1 = arith.constant 0 : i32
    return %arg0, %c0_i32, %c0_i32_0 : i32, i32, i32
  }
  func.func @transform_1(%arg0: i32) -> (i32, i32) {
    %c0_i32 = arith.constant 0 : i32
    %c0_i32_0 = arith.constant 0 : i32
    %c0_i32_1 = arith.constant 0 : i32
    return %c0_i32, %c0_i32_0 : i32, i32
  }
  func.func @transform_2(%arg0: i32) -> (i32, i32) {
    %c0_i32 = arith.constant 0 : i32
    %c0_i32_0 = arith.constant 0 : i32
    %c0_i32_1 = arith.constant 0 : i32
    return %c0_i32, %c0_i32_0 : i32, i32
  }
  func.func @transform_3(%arg0: i32) -> (i32, i32, i32) {
    %c0_i32 = arith.constant 0 : i32
    %c0_i32_0 = arith.constant 0 : i32
    %c0_i32_1 = arith.constant 0 : i32
    return %arg0, %c0_i32, %c0_i32_0 : i32, i32, i32
  }
  func.func @transform_4(%arg0: i32) -> (i32, i32, i32) {
    %c0_i32 = arith.constant 0 : i32
    %c0_i32_0 = arith.constant 0 : i32
    %c0_i32_1 = arith.constant 0 : i32
    return %arg0, %c0_i32, %c0_i32_0 : i32, i32, i32
  }
}

</mosaic_0001>

<sc_bundles>
// kernel: kernel.4.cloned.1.call-start
scs
__scs_entry_jumppad:
0x0: {  	(pc) =	sbr.rel $0x88, $3  }
0x1: {  	(tag) =	ssettag $0x0;
	lr =	simm.s32 $0x1  }
0x2: {  	[smem:$0x3F9F] =	sst lr;
	_ =	strace $0xD0000000  }
0x3: {  	_ = 	snop  }
0x4: {  	_ = 	snop  }
0x5: {  	_ = 	snop  }
0x6: {  	_ = 	snop  }
0x7: {  	_ = 	snop  }
__scs_overlays_trampoline_lowered:
0x8: {  	[smem:$0x3FAE] =	sst s0  }
0x9: {  	[smem:$0x3FAF] =	sst s1  }
0xa: {  	[smem:$0x3FB0] =	sst s2  }
0xb: {  	[smem:$0x3FB1] =	sst s3  }
0xc: {  	[smem:$0x3FB2] =	sst s4  }
0xd: {  	[smem:$0x3FB3] =	sst s5  }
0xe: {  	[smem:$0x3FB4] =	sst s6  }
0xf: {  	[smem:$0x3FB5] =	sst s7  }
0x10: {  	[smem:$0x3FB6] =	sst s8  }
0x11: {  	[smem:$0x3FB7] =	sst s9;
	s0 =	simm.s32 @!p0 $0x0  }
0x12: {  	s1 =	sld [smem:$0x3F9D];
	s0 =	simm.s32 @p0 $0x1  }
0x13: {  	[smem:$0x3FB8] =	sst s0;
	s0 =	simm.s32 @!p1 $0x0  }
0x14: {  	s2 =	sld [smem:$0x3F9C];
	s0 =	simm.s32 @p1 $0x1  }
0x15: {  	[smem:$0x3FB9] =	sst s0;
	s0 =	simm.s32 @!p2 $0x0  }
0x16: {  	s3 =	sld [smem:$0x3FDB];
	s0 =	simm.s32 @p2 $0x1  }
0x17: {  	s4 =	simm.s32 $0x1BF5;
	[smem:$0x3FBB] =	sst s0  }
0x18: {  	s0 =	sld [smem:$0x3F9E];
	_ =	swait.ge [sflag:s4], $0x0  }
0x19: {  	s7 =	sld [smem:$0x3F9F]  }
0x1a: {  	s8 =	sadd.s32 $0xFFFFE003, lr  }
0x1b: {  	s9 =	sadd.s32 $0xFFFFFEF7, lr;
	s5 =	simm.s32 $0xFFFFFFFF;
	p2 =	slt.u32 s8, $0xFFFFF086  }
0x1c: {  	p1 =	slt.u32 s9, $0xF7A;
	s5 =	simm.s32 @!p2 $0x0  }
0x1d: {  	s5 =	simm.s32 @p1 $0x1;
	p0 =	seq.s32 s7, s2  }
0x1e: {  	s7 =	smul.u32 @!p0 $0xF7A, s2;
	p2 =	seq.s32 @!p0 s5, $0x0  }
0x1f: {  	s9 =	smul.u32 $0xF7A, s1;
	s8 =	simm.s32 @!p0 $0x1BF5;
	p2 =	por !p2, p0  }
0x20: {  	[sflag:s8] =	ssyncset.s32 @!p0 $0xFFFFF086;
	s6 =	sadd.s32 @!p0 s3, s7;
	s7 =	simm.s32 @!p0 $0x108  }
0x21: {  	s3 =	sadd.s32 s3, s9;
	s6 =	sadd.s32 @!p0 $0x88, s6;
	s7 =	simm.s32 @p2 $0x1082  }
0x22: {  	[simem:s7], [sflag:s8] =	dma.local @!p0 [hbm:s6], $0xF7A  }
0x23: {  	s9 =	sor.u32 $0xD0000000, s2;
	s6 =	simm.s32 $0x108;
	_ =	swait.ge @!p0 [sflag:s8], $0x0  }
0x24: {  	s3 =	sadd.s32 $0x88, s3;
	s6 =	simm.s32 @!p1 $0x1082;
	[sflag:s4] =	ssyncset.s32 $0xFFFFF086  }
0x25: {  	[simem:s6], [sflag:s4] =	dma.local [hbm:s3], $0xF7A  }
0x26: {  	[smem:$0x3F9F] =	sst s1;
	(tag) =	ssettag s2;
	_ =	strace s9  }
0x27: {  	s1 =	sld [smem:$0x3FAF]  }
0x28: {  	s2 =	sld [smem:$0x3FB0]  }
0x29: {  	s4 =	sld [smem:$0x3FB2]  }
0x2a: {  	p0 =	seq.s32 s5, $0x0;
	s5 =	sld [smem:$0x3FB3]  }
0x2b: {  	s6 =	sld [smem:$0x3FB4]  }
0x2c: {  	s7 =	sld [smem:$0x3FB5]  }
0x2d: {  	s3 =	simm.s32 $0x108;
	s8 =	sld [smem:$0x3FB6]  }
0x2e: {  	s3 =	simm.s32 @!p0 $0x1082;
	s9 =	sld [smem:$0x3FB7]  }
0x2f: {  	lr =	sadd.s32 s0, s3;
	s0 =	sld [smem:$0x3FAE]  }
0x30: {  	s3 =	sld [smem:$0x3FB1]  }
0x31: {  	[smem:$0x3FBA] =	sst s10  }
0x32: {  	s10 =	sld [smem:$0x3FB8];
	_ =	sdelay $0x3  }
0x33: {  	p0 =	seq.s32 s10, $0x1;
	s10 =	sld [smem:$0x3FBA];
	_ =	sdelay $0x3  }
0x34: {  	[smem:$0x3FBA] =	sst s10  }
0x35: {  	s10 =	sld [smem:$0x3FB9];
	_ =	sdelay $0x3  }
0x36: {  	p1 =	seq.s32 s10, $0x1;
	s10 =	sld [smem:$0x3FBA];
	_ =	sdelay $0x3  }
0x37: {  	[smem:$0x3FBA] =	sst s10  }
0x38: {  	s10 =	sld [smem:$0x3FBB]  }
0x39: {  	_ = 	snop;
	(pc) =	sbr.ind lr, $3  }
0x3a: {  	_ = 	snop  }
0x3b: {  	_ = 	snop  }
0x3c: {  	p2 =	seq.s32 s10, $0x1;
	s10 =	sld [smem:$0x3FBA]  }
0x3d: {  	_ =	shalt  }
0x3e: {  	_ =	shalt  }
0x3f: {  	_ =	shalt  }
0x40: {  	_ =	shalt  }
0x41: {  	_ =	shalt  }
0x42: {  	_ =	shalt  }
0x43: {  	_ =	shalt  }
0x44: {  	_ =	shalt  }
0x45: {  	_ =	shalt  }
0x46: {  	_ =	shalt  }
0x47: {  	_ =	shalt  }
0x48: {  	_ =	shalt  }
0x49: {  	_ =	shalt  }
0x4a: {  	_ =	shalt  }
0x4b: {  	_ =	shalt  }
0x4c: {  	_ =	shalt  }
0x4d: {  	_ =	shalt  }
0x4e: {  	_ =	shalt  }
0x4f: {  	_ =	shalt  }
0x50: {  	_ =	shalt  }
0x51: {  	_ =	shalt  }
0x52: {  	_ =	shalt  }
0x53: {  	_ =	shalt  }
0x54: {  	_ =	shalt  }
0x55: {  	_ =	shalt  }
0x56: {  	_ =	shalt  }
0x57: {  	_ =	shalt  }
0x58: {  	_ =	shalt  }
0x59: {  	_ =	shalt  }
0x5a: {  	_ =	shalt  }
0x5b: {  	_ =	shalt  }
0x5c: {  	_ =	shalt  }
0x5d: {  	_ =	shalt  }
0x5e: {  	_ =	shalt  }
0x5f: {  	_ =	shalt  }
0x60: {  	_ =	shalt  }
0x61: {  	_ =	shalt  }
0x62: {  	_ =	shalt  }
0x63: {  	_ =	shalt  }
0x64: {  	_ =	shalt  }
0x65: {  	_ =	shalt  }
0x66: {  	_ =	shalt  }
0x67: {  	_ =	shalt  }
0x68: {  	_ =	shalt  }
0x69: {  	_ =	shalt  }
0x6a: {  	_ =	shalt  }
0x6b: {  	_ =	shalt  }
0x6c: {  	_ =	shalt  }
0x6d: {  	_ =	shalt  }
0x6e: {  	_ =	shalt  }
0x6f: {  	_ =	shalt  }
0x70: {  	_ =	shalt  }
0x71: {  	_ =	shalt  }
0x72: {  	_ =	shalt  }
0x73: {  	_ =	shalt  }
0x74: {  	_ =	shalt  }
0x75: {  	_ =	shalt  }
0x76: {  	_ =	shalt  }
0x77: {  	_ =	shalt  }
0x78: {  	_ =	shalt  }
0x79: {  	_ =	shalt  }
0x7a: {  	_ =	shalt  }
0x7b: {  	_ =	shalt  }
0x7c: {  	_ =	shalt  }
0x7d: {  	_ =	shalt  }
0x7e: {  	_ =	shalt  }
0x7f: {  	_ =	shalt  }
0x80: {  	_ =	shalt  }
0x81: {  	_ =	shalt  }
0x82: {  	_ =	shalt  }
0x83: {  	_ =	shalt  }
0x84: {  	_ =	shalt  }
0x85: {  	_ =	shalt  }
0x86: {  	_ =	shalt  }
0x87: {  	_ =	shalt  }
.Lfunc_end0:
.L_simem_size_0:
called_computation_lowered:
.L_overlay_start_0:
0x88: {  	s2 =	sld [smem:$0x3FD9]  }
0x89: {  	s3 =	sld [smem:$0x3FFE];
	_ =	sdelay $0x1  }
0x8a: {  	s1 =	srdreg.scid  }
0x8b: {  	s0 =	sand.u32 $0x1, s1  }
0x8c: {  	s14 =	sshll.u32 s0, $0xA;
	s2 =	sadd.s32 s3, s2  }
0x8d: {  	s2 =	sadd.s32 s2, s14  }
0x8e: {  	[smem:$0x3FC6] =	sst s2  }
0x8f: {  	_ = 	snop  }
0x90: {  	s2 =	sld [smem:$0x3FD0];
	_ =	sdelay $0x2  }
0x91: {  	s15 =	simm.s32 $0xA;
	s4 =	simm.s32 $0x10  }
0x92: {  	[smem:s4], [sflag:s15] =	dma.local [hbm:s2], $0x1  }
0x93: {  	_ =	swait.eq [sflag:s15], $0x1  }
0x94: {  	[sflag:s15] =	ssyncset.done $0x0  }
0x95: {  	s16 =	sld [smem:$0x10];
	[sflag:s15] =	ssyncadd.s32 $0xFFFFFFFF  }
0x96: {  	s17 =	sld [smem:$0x11];
	(tm) =	ssettm $0x1  }
0x97: {  	s18 =	sld [smem:$0x3FFB];
	_ =	sdelay $0x3  }
0x98: {  	_ =	strace s18  }
0x99: {  	s4 =	sld [smem:$0x3FFC];
	_ =	sdelay $0x3  }
0x9a: {  	_ =	strace s4  }
0x9b: {  	s4 =	sld [smem:$0x3FFD];
	_ =	sdelay $0x3  }
0x9c: {  	_ =	strace s4  }
0x9d: {  	_ =	strace $0x8FFFFFFF  }
0x9e: {  	s19 =	sld [smem:$0x3FDB];
	_ =	sdelay $0x1  }
0x9f: {  	s5 =	simm.s32 $_scs_section_size  }
0xa0: {  	s6 =	simm.s32 $_size__tile_overlayer_lowered;
	s7 =	simm.s32 $_tile_overlayer_lowered  }
0xa1: {  	s22 =	simm.s32 $0x1BFF;
	s21 =	sshll.u32 s7, $0x1;
	s4 =	sadd.s32 s5, s19  }
0xa2: {  	s8 =	simm.s32 $0x0;
	s20 =	sshll.u32 s6, $0x1;
	s6 =	sadd.s32 s21, s4  }
0xa3: {  	[timem:s8], [sflag:s22] =	dma.local [hbm:s6], s20  }
0xa4: {  	_ =	swait.ge [sflag:s22], s20  }
0xa5: {  	s5 =	ssub.s32 $0x0, s20;
	[sflag:s22] =	ssyncset.done $0x0  }
0xa6: {  	[sflag:s22] =	ssyncadd.s32 s5;
	_ =	sdelay $0x1  }
0xa7: {  	s23 =	simm.s32 $0x1B8B  }
0xa8: {  	_ =	swait.ge [sflag:s23], $0x1  }
0xa9: {  	[sflag:s23] =	ssyncset.done $0x0  }
0xaa: {  	s25 =	simm.s32 $0x1B8E;
	s24 =	sld [smem:$0x3FFE];
	[sflag:s23] =	ssyncadd.s32 $0xFFFFFFFF  }
0xab: {  	s26 =	simm.s32 $execute0_lowered;
	[smem:$0x3FD2] =	sst s25  }
0xac: {  	s6 =	sshll.u32 s26, $0x1;
	_ =	strace $0x80000046;
	[dreg:$0x1] =	wrdreg $0xFFFFFFFF  }
0xad: {  	s28 =	simm.s32 $_size_execute0_lowered;
	s4 =	sadd.s32 s4, s6;
	[dreg:$0x0] =	wrdreg $0x0  }
0xae: {  	s6 =	sshll.u32 s28, $0x1;
	[dreg:$0x2] =	wrdreg s4  }
0xaf: {  	[dreg:$0x3] =	wrdreg s6  }
0xb0: {  	[dreg:$0x4] =	wrdreg $0xC0  }
0xb1: {  	_ =	task [dreg:s8], $0x5FFFF  }
0xb2: {  	[dreg:$0x1] =	wrdreg $0xFFFFFFFF  }
0xb3: {  	[dreg:$0x0] =	wrdreg $0x60  }
0xb4: {  	[dreg:$0x2] =	wrdreg s17  }
0xb5: {  	[dreg:$0x3] =	wrdreg s16  }
0xb6: {  	[dreg:$0x4] =	wrdreg s24  }
0xb7: {  	[dreg:$0x5] =	wrdreg $0x9  }
0xb8: {  	_ =	task.clear_ibuf [dreg:s8], $0x6FFFF;
	_ =	strace $0x90000046  }
0xb9: {  	s29 =	simm.s32 $0x9;
	_ =	strace $0x80000048  }
0xba: {  	_ =	swait.ge [sflag:s29], $0x1  }
0xbb: {  	[sflag:s29] =	ssyncadd.s32 $0xFFFFFFFF  }
0xbc: {  	_ =	strace $0x90000048  }
0xbd: {  	_ =	sfence  }
0xbe: {  	s30 =	sld [smem:$0x0];
	_ =	sdelay $0x2  }
0xbf: {  	s31 =	sshll.u32 s1, $0xD;
	s1 =	sshrl.u32 s1, $0x2  }
0xc0: {  	s3 =	sand.u32 $0x4000, s31;
	s1 =	sadd.s32 s1, s30  }
0xc1: {  	s0 =	sor.u32 s3, s0;
	s1 =	sshll.u32 s1, $0x11  }
0xc2: {  	s0 =	sor.u32 s1, s0  }
0xc3: {  	s0 =	sadd.s32 $0x8F2B, s0  }
0xc4: {  	[sflag:s0] =	ssyncadd.remote.s32 $0x1  }
0xc5: {  	_ =	sfence.sel $0xFFFF  }
0xc6: {  	[dreg:$0x0] =	wrdreg $0xFFFFFFFF;
	(pc) =	sbr.abs _section_cstart, $3  }
0xc7: {  	[dreg:$0x1] =	wrdreg $0xFFFFFFFF  }
0xc8: {  	_ =	task.clear_ibuf [dreg:s8], $0x2FFFF;
	_ =	strace $0x9FFFFFFF  }
0xc9: {  	(tm) =	ssettm $0x7FFFFFFF  }
tec
execute0_lowered:
.L_overlay_start_1:
0x0: {  	(tag) =	ssettag $0x1  }
0x1: {  	s2 =	rddreg [dreg:$0x0]  }
0x2: {  	s4 =	rddreg [dreg:$0x1]  }
0x3: {  	s1 =	srdreg.scid;
	s0 =	stileid.u32  }
0x4: {  	s13 =	rddreg [dreg:$0x2];
	s14 =	sand.u32 $0x1, s1;
	s5 =	sshll.u32 s0, $0x1  }
0x5: {  	s3 =	simm.s32 $0x0;
	s1 =	rddreg [dreg:$0x3];
	s15 =	sor.u32 s14, s5  }
0x6: {  	[smem:$0x7FF] =	sst s3;
	s5 =	sshll.u32 s15, $0x6  }
0x7: {  	_ =	strace $0x80000047;
	s5 =	sadd.s32 s4, s5;
	s4 =	simm.s32 $0x2  }
0x8: {  	[tilespmem:s3], [sflag:$0x2] =	stream.linear.gather [hbm4b:s5+s3], $0x180, $0x38;
	[tilespmem:$0x9200] =	vst v63  }
0x9: {  	_ =	swait.ge [sflag:s4], $0x180  }
0xa: {  	[sflag:s4] =	ssyncset.done $0x0  }
0xb: {  	s6 =	simm.s32 $0x60;
	s7 =	simm.s32 $0x200;
	[sflag:s4] =	ssyncadd.s32 $0xFFFFFE80  }
0xc: {  	[tilespmem:s7], [sflag:$0x1] =	stream.indirect.gather [hbm4b:s2+s6], $0x80, s3, s6, $0xb8;
	[tilespmem:$0x9200] =	vst v63  }
0xd: {  	s8 =	simm.s32 $0x80;
	s9 =	simm.s32 $0x3200  }
0xe: {  	[tilespmem:s9], [sflag:$0x1] =	stream.indirect.gather [hbm4b:s2+s6], $0x80, s8, s6, $0xb8;
	[tilespmem:$0x9200] =	vst v63  }
0xf: {  	s10 =	simm.s32 $0x100;
	s11 =	simm.s32 $0x6200;
	s12 =	simm.s32 $0x1  }
0x10: {  	[tilespmem:s11], [sflag:$0x1] =	stream.indirect.gather [hbm4b:s2+s6], $0x80, s10, s6, $0xb8;
	[tilespmem:$0x9200] =	vst v63  }
0x11: {  	_ =	swait.ge [sflag:s12], $0x3000  }
0x12: {  	[sflag:s12] =	ssyncset.done $0x0  }
0x13: {  	s14 =	ssub.s32 $0x2, s14;
	[sflag:s12] =	ssyncadd.s32 $0xFFFFD000  }
0x14: {  	s16 =	sshrl.u32 s14, $0x1;
	_ =	swait.ge [sflag:s12], $0x3000  }
0x15: {  	s14 =	ssub.s32 s14, s16;
	[sflag:s12] =	ssyncset.done $0x0  }
0x16: {  	s14 =	smax.u32 s14, $0x1;
	[sflag:s12] =	ssyncadd.s32 $0xFFFFD000  }
0x17: {  	s15 =	smul.u32 $0x1200, s15;
	p0 =	sne.s32 s14, $0x1;
	_ =	swait.ge [sflag:s12], $0x3000  }
.Ltmp0:
0x18: {  	[sflag:s12] =	ssyncset.done $0x0;
	(pc) =	sbr.rel @!p0 .LBB2_2-.Ltmp0, $4  }
0x19: {  	s13 =	sadd.s32 s13, s15;
	[sflag:s12] =	ssyncadd.s32 $0xFFFFD000  }
0x1a: {  	[hbm4b:s13+s3] =	stream.linear.scatter [tilespmem:s7], [sflag:$0x2], $0x9000, $0x38;
	[tilespmem:$0x9200] =	vst v63  }
0x1b: {  	_ =	swait.ge [sflag:s4], $0x9000  }
0x1c: {  	s14 =	sadd.s32 $0xFFFFFFFF, s14;
	[sflag:s4] =	ssyncset.done $0x0  }
.LBB2_1:
0x1d: {  	p0 =	sne.s32 s14, $0x1;
	s14 =	sadd.s32 $0xFFFFFFFF, s14;
	[sflag:s4] =	ssyncadd.s32 $0xFFFF7000  }
0x1e: {  	[tilespmem:s3], [sflag:$0x2] =	stream.linear.gather [hbm4b:s5+s3], $0x180, $0x38;
	[tilespmem:$0x9200] =	vst v63  }
0x1f: {  	_ =	swait.ge [sflag:s4], $0x180  }
0x20: {  	[sflag:s4] =	ssyncset.done $0x0  }
0x21: {  	[sflag:s4] =	ssyncadd.s32 $0xFFFFFE80  }
0x22: {  	[tilespmem:s7], [sflag:$0x1] =	stream.indirect.gather [hbm4b:s2+s6], $0x80, s3, s6, $0xb8;
	[tilespmem:$0x9200] =	vst v63  }
0x23: {  	_ = 	snop  }
0x24: {  	[tilespmem:s9], [sflag:$0x1] =	stream.indirect.gather [hbm4b:s2+s6], $0x80, s8, s6, $0xb8;
	[tilespmem:$0x9200] =	vst v63  }
0x25: {  	_ = 	snop  }
0x26: {  	[tilespmem:s11], [sflag:$0x1] =	stream.indirect.gather [hbm4b:s2+s6], $0x80, s10, s6, $0xb8;
	[tilespmem:$0x9200] =	vst v63  }
0x27: {  	_ =	swait.ge [sflag:s12], $0x3000  }
0x28: {  	[sflag:s12] =	ssyncset.done $0x0  }
0x29: {  	[sflag:s12] =	ssyncadd.s32 $0xFFFFD000  }
0x2a: {  	_ =	swait.ge [sflag:s12], $0x3000  }
0x2b: {  	[sflag:s12] =	ssyncset.done $0x0  }
0x2c: {  	[sflag:s12] =	ssyncadd.s32 $0xFFFFD000  }
0x2d: {  	_ =	swait.ge [sflag:s12], $0x3000  }
.Ltmp1:
0x2e: {  	[sflag:s12] =	ssyncset.done $0x0;
	(pc) =	sbr.rel @p0 .LBB2_1-.Ltmp1, $4  }
0x2f: {  	[sflag:s12] =	ssyncadd.s32 $0xFFFFD000  }
0x30: {  	[hbm4b:s13+s3] =	stream.linear.scatter [tilespmem:s7], [sflag:$0x2], $0x9000, $0x38;
	[tilespmem:$0x9200] =	vst v63  }
0x31: {  	_ =	swait.ge [sflag:s4], $0x9000  }
0x32: {  	[sflag:s4] =	ssyncset.done $0x0  }
.LBB2_2:
0x33: {  	[sflag:s4] =	ssyncadd.s32 $0xFFFF7000  }
0x34: {  	_ =	sfence.sel $0x180000  }
0x35: {  	[bflag:$0x0] =	sbarrier.arrive $0xFFFF  }
0x36: {  	p0 =	sne.s32 s0, $0x0;
	_ =	strace $0x90000047  }
0x37: {  	s0 =	sadd.s32 @!p0 $0x100000, s1;
	[bflag:$0x2] =	sbarrier.arrive $0xFFFF  }
0x38: {  	[sflag:s0] =	ssyncadd.tile.s32 @!p0 $0x1;
	_ =	shalt  }
.Lfunc_end2:
_tile_overlayer_lowered:
.L_overlay_start_2:
0x39: {  	(tag) =	ssettag $0x2  }
0x3a: {  	s0 =	rddreg [dreg:$0x0];
	s2 =	stileid.u32  }
0x3b: {  	s1 =	rddreg [dreg:$0x1];
	p0 =	sne.s32 s2, $0x0  }
0x3c: {  	s3 =	rddreg [dreg:$0x2];
	[bflag:$0x3] =	sbarrier.arrive $0xFFFF;
	s2 =	simm.s32 @!p0 $0x1C02  }
0x3d: {  	[timem:s3], [sflag:s2] =	dma.local @!p0 [hbm:s0], s1  }
0x3e: {  	s0 =	simm.s32 @!p0 $0x2  }
0x3f: {  	_ =	swait.ge @!p0 [sflag:s0], s1  }
0x40: {  	s1 =	ssub.s32 @!p0 $0x0, s1;
	[sflag:s0] =	ssyncset.done @!p0 $0x0  }
0x41: {  	[sflag:s0] =	ssyncadd.s32 @!p0 s1  }
0x42: {  	[bflag:$0x3] =	sbarrier.arrive $0xFFFF  }
0x43: {  	_ =	shalt  }

</sc_bundles>
